<compile_context>
chip_gen: v7x
topology: tpu7x:2x2x1
jax: 0.10.2.dev20260603
libtpu: 0.0.44.dev20260713+nightly
codegen_flags: <defaults>
</compile_context>

<pallas_src>
import functools

import jax
import jax.numpy as jnp
from jax import lax
from jax.experimental import pallas as pl
from jax.experimental.pallas import tpu as pltpu
from jax.experimental.pallas import tpu_sc as plsc

N_EDGES = 320000
D_FEAT = 128
N_SEGMENTS = 10000

NC = 2
NS = 16
NW = NC * NS

EPT = N_EDGES // NW
CH = 80
NCHUNK = EPT // CH
SP = 10240
RPT = SP // NS
RCH = 128
NRCH = RPT // RCH


def _sc_segment_partials(fea, idx):
    mesh = plsc.VectorSubcoreMesh(core_axis_name="c", subcore_axis_name="s")

    @functools.partial(
        pl.kernel,
        mesh=mesh,
        out_type=jax.ShapeDtypeStruct((NC, SP, D_FEAT), jnp.float32),
        scratch_types=[
            pltpu.VMEM((CH, D_FEAT), jnp.float32),
            pltpu.VMEM((CH,), jnp.int32),
            pltpu.VMEM((RCH, D_FEAT), jnp.float32),
            pltpu.VMEM_SHARED((SP, D_FEAT), jnp.float32),
        ],
    )
    def k(fea_hbm, idx_hbm, part_hbm, rows_v, idx_v, zbuf, acc):
        cid = lax.axis_index("c")
        sid = lax.axis_index("s")
        wid = cid * NS + sid

        zvec = jnp.zeros((16,), jnp.float32)

        def zrow(r, carry):
            for j in range(D_FEAT // 16):
                zbuf[r, pl.ds(j * 16, 16)] = zvec
            return carry

        lax.fori_loop(0, RCH, zrow, 0)

        def zcopy(kk, carry):
            r0 = sid * RPT + kk * RCH
            pltpu.sync_copy(zbuf, acc.at[pl.ds(r0, RCH)])
            return carry

        lax.fori_loop(0, NRCH, zcopy, 0)
        plsc.subcore_barrier()

        base = wid * EPT

        def chunk(c, carry):
            e = base + c * CH
            pltpu.sync_copy(idx_hbm.at[pl.ds(e, CH)], idx_v)
            pltpu.sync_copy(fea_hbm.at[pl.ds(e, CH)], rows_v)
            pltpu.sync_copy(rows_v, acc.at[idx_v], add=True)
            return carry

        lax.fori_loop(0, NCHUNK, chunk, 0)
        plsc.subcore_barrier()

        def ocopy(kk, carry):
            r0 = sid * RPT + kk * RCH
            pltpu.sync_copy(acc.at[pl.ds(r0, RCH)], zbuf)
            pltpu.sync_copy(zbuf, part_hbm.at[cid, pl.ds(r0, RCH)])
            return carry

        lax.fori_loop(0, NRCH, ocopy, 0)

    return k(fea, idx)


def _tc_add(a, b):
    def add_kernel(a_ref, b_ref, o_ref):
        o_ref[...] = a_ref[...] + b_ref[...]

    blk = (1000, D_FEAT)
    return pl.pallas_call(
        add_kernel,
        grid=(N_SEGMENTS // blk[0],),
        in_specs=[
            pl.BlockSpec(blk, lambda i: (i, 0)),
            pl.BlockSpec(blk, lambda i: (i, 0)),
        ],
        out_specs=pl.BlockSpec(blk, lambda i: (i, 0)),
        out_shape=jax.ShapeDtypeStruct((N_SEGMENTS, D_FEAT), jnp.float32),
    )(a, b)


def kernel(fea, idx_fea):
    idx = idx_fea.astype(jnp.int32)
    part = _sc_segment_partials(fea, idx)
    return _tc_add(part[0], part[1])

# --- scband reference (transcript-rebuilt; emitter-appended) ---
"""Pipeline reference for scband-graph-pool-57406532878883 (READ-ONLY COPY).

The authoritative reference and input builder live on the scoring server;
editing this copy changes nothing except your own understanding.
"""

import jax, jax.numpy as jnp
import numpy as np

N_EDGES = 320000
D_FEAT = 128
N_SEGMENTS = 10000

def setup_inputs(seed: int = 0) -> dict:
    key = jax.random.key(seed)
    k1, k2 = jax.random.split(key)
    fea = jax.random.normal(k1, (N_EDGES, D_FEAT), dtype=jnp.float32)
    idx_fea = jnp.sort(jax.random.randint(k2, (N_EDGES,), 0, N_SEGMENTS, dtype=jnp.int64))
    return {"fea": fea, "idx_fea": idx_fea}

def reference(fea, idx_fea):
    # torch_scatter.scatter(fea, idx_fea, dim=0, reduce='sum')
    out = jax.ops.segment_sum(fea, idx_fea, num_segments=N_SEGMENTS)
    return out

if __name__ == "__main__":
    import jax
    _d = setup_inputs()
    print(jax.jit(kernel)(*tuple(_d.values())))

</pallas_src>

<mosaic_0001>
#map = affine_map<(d0, d1) -> (0, 0)>
#map1 = affine_map<(d0, d1) -> (0)>
#map2 = affine_map<(d0, d1) -> (0, 0, 0)>
module attributes {stable_mosaic.version = 14 : i64} {
  func.func @k(%arg0: i32, %arg1: i32, %arg2: memref<320000x128xf32, #tpu.memory_space<hbm>>, %arg3: memref<320000xi32, #tpu.memory_space<hbm>>, %arg4: memref<2x10240x128xf32, #tpu.memory_space<hbm>>, %arg5: memref<80x128xf32, #tpu.memory_space<vmem>>, %arg6: memref<80xi32, #tpu.memory_space<vmem>>, %arg7: memref<128x128xf32, #tpu.memory_space<vmem>>, %arg8: memref<10240x128xf32, #tpu.memory_space<vmem_shared>>) attributes {dimension_semantics = [#tpu.dimension_semantics<core_parallel>, #tpu.dimension_semantics<subcore_parallel>], iteration_bounds = array<i64: 2, 16>, scalar_prefetch = 0 : i64, scratch_operands = 4 : i64, tpu.core_type = #tpu.core_type<sc_vector_subcore>, window_params = [{transform_indices = #map}, {transform_indices = #map1}, {transform_indices = #map2}]} {
    %mul3A = arith.constant 16 : i32
    %mul3A_0 = arith.muli %arg0, %mul3A : i32
    %add3A = arith.addi %mul3A_0, %arg1 : i32
    %broadcast_in_dim3A = arith.constant 0.000000e+00 : f32
    %broadcast_in_dim3A_1 = vector.broadcast %broadcast_in_dim3A : f32 to vector<16xf32>
    %scan3A = arith.constant 0 : i32
    %scan3A_2 = arith.constant 0 : i32
    %scan3A_3 = arith.constant 128 : i32
    %scan3A_4 = arith.addi %scan3A_2, %scan3A_3 : i32
    %scan3A_5 = arith.constant 1 : i32
    scf.for %scan3A_28 = %scan3A_2 to %scan3A_4 step %scan3A_5  : i32 {
      %swap3A = arith.index_cast %scan3A_28 : i32 to index
      %swap3A_29 = arith.constant 0 : index
      %swap3A_30 = tpu.vector_load %arg7[%swap3A, %swap3A_29] {strides = array<i32>} : memref<128x128xf32, #tpu.memory_space<vmem>>, vector<1x16xf32>,
      %swap3A_31 = vector.shape_cast %swap3A_30 : vector<1x16xf32> to vector<16xf32>
      %swap3A_32 = vector.shape_cast %broadcast_in_dim3A_1 : vector<16xf32> to vector<1x16xf32>
      tpu.vector_store %arg7[%swap3A, %swap3A_29], %swap3A_32 {strides = array<i32>} : memref<128x128xf32, #tpu.memory_space<vmem>>, vector<1x16xf32>,
      %swap3A_33 = arith.index_cast %scan3A_28 : i32 to index
      %swap3A_34 = arith.constant 16 : index
      %swap3A_35 = tpu.vector_load %arg7[%swap3A_33, %swap3A_34] {strides = array<i32>} : memref<128x128xf32, #tpu.memory_space<vmem>>, vector<1x16xf32>,
      %swap3A_36 = vector.shape_cast %swap3A_35 : vector<1x16xf32> to vector<16xf32>
      %swap3A_37 = vector.shape_cast %broadcast_in_dim3A_1 : vector<16xf32> to vector<1x16xf32>
      tpu.vector_store %arg7[%swap3A_33, %swap3A_34], %swap3A_37 {strides = array<i32>} : memref<128x128xf32, #tpu.memory_space<vmem>>, vector<1x16xf32>,
      %swap3A_38 = arith.index_cast %scan3A_28 : i32 to index
      %swap3A_39 = arith.constant 32 : index
      %swap3A_40 = tpu.vector_load %arg7[%swap3A_38, %swap3A_39] {strides = array<i32>} : memref<128x128xf32, #tpu.memory_space<vmem>>, vector<1x16xf32>,
      %swap3A_41 = vector.shape_cast %swap3A_40 : vector<1x16xf32> to vector<16xf32>
      %swap3A_42 = vector.shape_cast %broadcast_in_dim3A_1 : vector<16xf32> to vector<1x16xf32>
      tpu.vector_store %arg7[%swap3A_38, %swap3A_39], %swap3A_42 {strides = array<i32>} : memref<128x128xf32, #tpu.memory_space<vmem>>, vector<1x16xf32>,
      %swap3A_43 = arith.index_cast %scan3A_28 : i32 to index
      %swap3A_44 = arith.constant 48 : index
      %swap3A_45 = tpu.vector_load %arg7[%swap3A_43, %swap3A_44] {strides = array<i32>} : memref<128x128xf32, #tpu.memory_space<vmem>>, vector<1x16xf32>,
      %swap3A_46 = vector.shape_cast %swap3A_45 : vector<1x16xf32> to vector<16xf32>
      %swap3A_47 = vector.shape_cast %broadcast_in_dim3A_1 : vector<16xf32> to vector<1x16xf32>
      tpu.vector_store %arg7[%swap3A_43, %swap3A_44], %swap3A_47 {strides = array<i32>} : memref<128x128xf32, #tpu.memory_space<vmem>>, vector<1x16xf32>,
      %swap3A_48 = arith.index_cast %scan3A_28 : i32 to index
      %swap3A_49 = arith.constant 64 : index
      %swap3A_50 = tpu.vector_load %arg7[%swap3A_48, %swap3A_49] {strides = array<i32>} : memref<128x128xf32, #tpu.memory_space<vmem>>, vector<1x16xf32>,
      %swap3A_51 = vector.shape_cast %swap3A_50 : vector<1x16xf32> to vector<16xf32>
      %swap3A_52 = vector.shape_cast %broadcast_in_dim3A_1 : vector<16xf32> to vector<1x16xf32>
      tpu.vector_store %arg7[%swap3A_48, %swap3A_49], %swap3A_52 {strides = array<i32>} : memref<128x128xf32, #tpu.memory_space<vmem>>, vector<1x16xf32>,
      %swap3A_53 = arith.index_cast %scan3A_28 : i32 to index
      %swap3A_54 = arith.constant 80 : index
      %swap3A_55 = tpu.vector_load %arg7[%swap3A_53, %swap3A_54] {strides = array<i32>} : memref<128x128xf32, #tpu.memory_space<vmem>>, vector<1x16xf32>,
      %swap3A_56 = vector.shape_cast %swap3A_55 : vector<1x16xf32> to vector<16xf32>
      %swap3A_57 = vector.shape_cast %broadcast_in_dim3A_1 : vector<16xf32> to vector<1x16xf32>
      tpu.vector_store %arg7[%swap3A_53, %swap3A_54], %swap3A_57 {strides = array<i32>} : memref<128x128xf32, #tpu.memory_space<vmem>>, vector<1x16xf32>,
      %swap3A_58 = arith.index_cast %scan3A_28 : i32 to index
      %swap3A_59 = arith.constant 96 : index
      %swap3A_60 = tpu.vector_load %arg7[%swap3A_58, %swap3A_59] {strides = array<i32>} : memref<128x128xf32, #tpu.memory_space<vmem>>, vector<1x16xf32>,
      %swap3A_61 = vector.shape_cast %swap3A_60 : vector<1x16xf32> to vector<16xf32>
      %swap3A_62 = vector.shape_cast %broadcast_in_dim3A_1 : vector<16xf32> to vector<1x16xf32>
      tpu.vector_store %arg7[%swap3A_58, %swap3A_59], %swap3A_62 {strides = array<i32>} : memref<128x128xf32, #tpu.memory_space<vmem>>, vector<1x16xf32>,
      %swap3A_63 = arith.index_cast %scan3A_28 : i32 to index
      %swap3A_64 = arith.constant 112 : index
      %swap3A_65 = tpu.vector_load %arg7[%swap3A_63, %swap3A_64] {strides = array<i32>} : memref<128x128xf32, #tpu.memory_space<vmem>>, vector<1x16xf32>,
      %swap3A_66 = vector.shape_cast %swap3A_65 : vector<1x16xf32> to vector<16xf32>
      %swap3A_67 = vector.shape_cast %broadcast_in_dim3A_1 : vector<16xf32> to vector<1x16xf32>
      tpu.vector_store %arg7[%swap3A_63, %swap3A_64], %swap3A_67 {strides = array<i32>} : memref<128x128xf32, #tpu.memory_space<vmem>>, vector<1x16xf32>,
    }
    %scan3A_6 = arith.constant 128 : i32
    %scan3A_7 = arith.constant 0 : i32
    %scan3A_8 = arith.constant 0 : i32
    %scan3A_9 = arith.constant 5 : i32
    %scan3A_10 = arith.addi %scan3A_8, %scan3A_9 : i32
    %scan3A_11 = arith.constant 1 : i32
    scf.for %scan3A_28 = %scan3A_8 to %scan3A_10 step %scan3A_11  : i32 {
      %mul3A_29 = arith.constant 640 : i32
      %mul3A_30 = arith.muli %arg1, %mul3A_29 : i32
      %mul3A_31 = arith.constant 128 : i32
      %mul3A_32 = arith.muli %scan3A_28, %mul3A_31 : i32
      %add3A_33 = arith.addi %mul3A_30, %mul3A_32 : i32
      "tpu.region"() ({
        %run_scoped3A = tpu.sem_alloc : memref<!tpu.dma_semaphore, #tpu.memory_space<semaphore_mem>>
        %dma_start3A = arith.constant 0 : i32
        %dma_start3A_34 = tpu.memref_slice %arg8[%add3A_33, %dma_start3A] : memref<10240x128xf32, #tpu.memory_space<vmem_shared>> -> memref<128x128xf32, #tpu.memory_space<vmem_shared>>
        %dma_start3A_35 = arith.constant 0 : i32
        %dma_start3A_36 = tpu.memref_slice %arg8[%add3A_33, %dma_start3A_35] : memref<10240x128xf32, #tpu.memory_space<vmem_shared>> -> memref<128x128xf32, #tpu.memory_space<vmem_shared>>
        tpu.enqueue_dma source(%arg7 : memref<128x128xf32, #tpu.memory_space<vmem>>) target(%dma_start3A_36 : memref<128x128xf32, #tpu.memory_space<vmem_shared>>) target_semaphore(%run_scoped3A : memref<!tpu.dma_semaphore, #tpu.memory_space<semaphore_mem>>)
        %dma_wait3A = arith.constant 0 : i32
        %dma_wait3A_37 = tpu.memref_slice %arg8[%add3A_33, %dma_wait3A] : memref<10240x128xf32, #tpu.memory_space<vmem_shared>> -> memref<128x128xf32, #tpu.memory_space<vmem_shared>>
        %dma_wait3A_38 = arith.constant 0 : i32
        %dma_wait3A_39 = tpu.memref_slice %arg8[%add3A_33, %dma_wait3A_38] : memref<10240x128xf32, #tpu.memory_space<vmem_shared>> -> memref<128x128xf32, #tpu.memory_space<vmem_shared>>
        tpu.wait_dma2 semaphore(%run_scoped3A : memref<!tpu.dma_semaphore, #tpu.memory_space<semaphore_mem>>) src(%arg7 : memref<128x128xf32, #tpu.memory_space<vmem>>) dst(%dma_wait3A_39 : memref<128x128xf32, #tpu.memory_space<vmem_shared>>)
        tpu.yield
      }) : () -> ()
    }
    %scan3A_12 = arith.constant 5 : i32
    %barrier3A = arith.constant 0 : index
    tpu.barrier barrier_id(%barrier3A)
    %mul3A_13 = arith.constant 10000 : i32
    %mul3A_14 = arith.muli %add3A, %mul3A_13 : i32
    %scan3A_15 = arith.constant 0 : i32
    %scan3A_16 = arith.constant 0 : i32
    %scan3A_17 = arith.constant 125 : i32
    %scan3A_18 = arith.addi %scan3A_16, %scan3A_17 : i32
    %scan3A_19 = arith.constant 1 : i32
    scf.for %scan3A_28 = %scan3A_16 to %scan3A_18 step %scan3A_19  : i32 {
      %mul3A_29 = arith.constant 80 : i32
      %mul3A_30 = arith.muli %scan3A_28, %mul3A_29 : i32
      %add3A_31 = arith.addi %mul3A_14, %mul3A_30 : i32
      "tpu.region"() ({
        %run_scoped3A = tpu.sem_alloc : memref<!tpu.dma_semaphore, #tpu.memory_space<semaphore_mem>>
        %dma_start3A = tpu.memref_slice %arg3[%add3A_31] : memref<320000xi32, #tpu.memory_space<hbm>> -> memref<80xi32, #tpu.memory_space<hbm>>
        %dma_start3A_32 = tpu.memref_slice %arg3[%add3A_31] : memref<320000xi32, #tpu.memory_space<hbm>> -> memref<80xi32, #tpu.memory_space<hbm>>
        tpu.enqueue_dma source(%dma_start3A_32 : memref<80xi32, #tpu.memory_space<hbm>>) target(%arg6 : memref<80xi32, #tpu.memory_space<vmem>>) target_semaphore(%run_scoped3A : memref<!tpu.dma_semaphore, #tpu.memory_space<semaphore_mem>>)
        %dma_wait3A = tpu.memref_slice %arg3[%add3A_31] : memref<320000xi32, #tpu.memory_space<hbm>> -> memref<80xi32, #tpu.memory_space<hbm>>
        %dma_wait3A_33 = tpu.memref_slice %arg3[%add3A_31] : memref<320000xi32, #tpu.memory_space<hbm>> -> memref<80xi32, #tpu.memory_space<hbm>>
        tpu.wait_dma2 semaphore(%run_scoped3A : memref<!tpu.dma_semaphore, #tpu.memory_space<semaphore_mem>>) src(%dma_wait3A_33 : memref<80xi32, #tpu.memory_space<hbm>>) dst(%arg6 : memref<80xi32, #tpu.memory_space<vmem>>)
        tpu.yield
      }) : () -> ()
      "tpu.region"() ({
        %run_scoped3A = tpu.sem_alloc : memref<!tpu.dma_semaphore, #tpu.memory_space<semaphore_mem>>
        %dma_start3A = arith.constant 0 : i32
        %dma_start3A_32 = tpu.memref_slice %arg2[%add3A_31, %dma_start3A] : memref<320000x128xf32, #tpu.memory_space<hbm>> -> memref<80x128xf32, #tpu.memory_space<hbm>>
        %dma_start3A_33 = arith.constant 0 : i32
        %dma_start3A_34 = tpu.memref_slice %arg2[%add3A_31, %dma_start3A_33] : memref<320000x128xf32, #tpu.memory_space<hbm>> -> memref<80x128xf32, #tpu.memory_space<hbm>>
        tpu.enqueue_dma source(%dma_start3A_34 : memref<80x128xf32, #tpu.memory_space<hbm>>) target(%arg5 : memref<80x128xf32, #tpu.memory_space<vmem>>) target_semaphore(%run_scoped3A : memref<!tpu.dma_semaphore, #tpu.memory_space<semaphore_mem>>)
        %dma_wait3A = arith.constant 0 : i32
        %dma_wait3A_35 = tpu.memref_slice %arg2[%add3A_31, %dma_wait3A] : memref<320000x128xf32, #tpu.memory_space<hbm>> -> memref<80x128xf32, #tpu.memory_space<hbm>>
        %dma_wait3A_36 = arith.constant 0 : i32
        %dma_wait3A_37 = tpu.memref_slice %arg2[%add3A_31, %dma_wait3A_36] : memref<320000x128xf32, #tpu.memory_space<hbm>> -> memref<80x128xf32, #tpu.memory_space<hbm>>
        tpu.wait_dma2 semaphore(%run_scoped3A : memref<!tpu.dma_semaphore, #tpu.memory_space<semaphore_mem>>) src(%dma_wait3A_37 : memref<80x128xf32, #tpu.memory_space<hbm>>) dst(%arg5 : memref<80x128xf32, #tpu.memory_space<vmem>>)
        tpu.yield
      }) : () -> ()
      "tpu.region"() ({
        %run_scoped3A = tpu.sem_alloc : memref<!tpu.dma_semaphore, #tpu.memory_space<semaphore_mem>>
        %dma_start3A = arith.constant 0 : i32
        %dma_start3A_32 = arith.constant 0 : i32
        %dma_start3A_33 = tpu.memref_slice %arg8[%dma_start3A, %dma_start3A_32] : memref<10240x128xf32, #tpu.memory_space<vmem_shared>> -> memref<10240x128xf32, #tpu.memory_space<vmem_shared>>
        tpu.enqueue_indirect_dma source(%arg5 : memref<80x128xf32, #tpu.memory_space<vmem>>) target(%dma_start3A_33 : memref<10240x128xf32, #tpu.memory_space<vmem_shared>>) offsets(%arg6 : memref<80xi32, #tpu.memory_space<vmem>>) semaphore(%run_scoped3A : memref<!tpu.dma_semaphore, #tpu.memory_space<semaphore_mem>>) {add = true}
        %dma_wait3A = arith.constant 0 : i32
        %dma_wait3A_34 = arith.constant 0 : i32
        %dma_wait3A_35 = tpu.memref_slice %arg8[%dma_wait3A, %dma_wait3A_34] : memref<10240x128xf32, #tpu.memory_space<vmem_shared>> -> memref<10240x128xf32, #tpu.memory_space<vmem_shared>>
        tpu.wait_indirect_dma semaphore(%run_scoped3A : memref<!tpu.dma_semaphore, #tpu.memory_space<semaphore_mem>>) src(%arg5 : memref<80x128xf32, #tpu.memory_space<vmem>>) dst(%dma_wait3A_35 : memref<10240x128xf32, #tpu.memory_space<vmem_shared>>)
        tpu.yield
      }) : () -> ()
    }
    %scan3A_20 = arith.constant 125 : i32
    %barrier3A_21 = arith.constant 0 : index
    tpu.barrier barrier_id(%barrier3A_21)
    %scan3A_22 = arith.constant 0 : i32
    %scan3A_23 = arith.constant 0 : i32
    %scan3A_24 = arith.constant 5 : i32
    %scan3A_25 = arith.addi %scan3A_23, %scan3A_24 : i32
    %scan3A_26 = arith.constant 1 : i32
    scf.for %scan3A_28 = %scan3A_23 to %scan3A_25 step %scan3A_26  : i32 {
      %mul3A_29 = arith.constant 640 : i32
      %mul3A_30 = arith.muli %arg1, %mul3A_29 : i32
      %mul3A_31 = arith.constant 128 : i32
      %mul3A_32 = arith.muli %scan3A_28, %mul3A_31 : i32
      %add3A_33 = arith.addi %mul3A_30, %mul3A_32 : i32
      "tpu.region"() ({
        %run_scoped3A = tpu.sem_alloc : memref<!tpu.dma_semaphore, #tpu.memory_space<semaphore_mem>>
        %dma_start3A = arith.constant 0 : i32
        %dma_start3A_34 = tpu.memref_slice %arg8[%add3A_33, %dma_start3A] : memref<10240x128xf32, #tpu.memory_space<vmem_shared>> -> memref<128x128xf32, #tpu.memory_space<vmem_shared>>
        %dma_start3A_35 = arith.constant 0 : i32
        %dma_start3A_36 = tpu.memref_slice %arg8[%add3A_33, %dma_start3A_35] : memref<10240x128xf32, #tpu.memory_space<vmem_shared>> -> memref<128x128xf32, #tpu.memory_space<vmem_shared>>
        tpu.enqueue_dma source(%dma_start3A_36 : memref<128x128xf32, #tpu.memory_space<vmem_shared>>) target(%arg7 : memref<128x128xf32, #tpu.memory_space<vmem>>) target_semaphore(%run_scoped3A : memref<!tpu.dma_semaphore, #tpu.memory_space<semaphore_mem>>)
        %dma_wait3A = arith.constant 0 : i32
        %dma_wait3A_37 = tpu.memref_slice %arg8[%add3A_33, %dma_wait3A] : memref<10240x128xf32, #tpu.memory_space<vmem_shared>> -> memref<128x128xf32, #tpu.memory_space<vmem_shared>>
        %dma_wait3A_38 = arith.constant 0 : i32
        %dma_wait3A_39 = tpu.memref_slice %arg8[%add3A_33, %dma_wait3A_38] : memref<10240x128xf32, #tpu.memory_space<vmem_shared>> -> memref<128x128xf32, #tpu.memory_space<vmem_shared>>
        tpu.wait_dma2 semaphore(%run_scoped3A : memref<!tpu.dma_semaphore, #tpu.memory_space<semaphore_mem>>) src(%dma_wait3A_39 : memref<128x128xf32, #tpu.memory_space<vmem_shared>>) dst(%arg7 : memref<128x128xf32, #tpu.memory_space<vmem>>)
        tpu.yield
      }) : () -> ()
      "tpu.region"() ({
        %run_scoped3A = tpu.sem_alloc : memref<!tpu.dma_semaphore, #tpu.memory_space<semaphore_mem>>
        %dma_start3A = arith.constant 0 : i32
        %dma_start3A_34 = tpu.memref_slice %arg4[%arg0, %add3A_33, %dma_start3A] : memref<2x10240x128xf32, #tpu.memory_space<hbm>> -> memref<1x128x128xf32, #tpu.memory_space<hbm>>
        %dma_start3A_35 = tpu.memref_squeeze %dma_start3A_34 : memref<1x128x128xf32, #tpu.memory_space<hbm>> -> memref<128x128xf32, #tpu.memory_space<hbm>>
        %dma_start3A_36 = arith.constant 0 : i32
        %dma_start3A_37 = tpu.memref_slice %arg4[%arg0, %add3A_33, %dma_start3A_36] : memref<2x10240x128xf32, #tpu.memory_space<hbm>> -> memref<1x128x128xf32, #tpu.memory_space<hbm>>
        %dma_start3A_38 = tpu.memref_squeeze %dma_start3A_37 : memref<1x128x128xf32, #tpu.memory_space<hbm>> -> memref<128x128xf32, #tpu.memory_space<hbm>>
        tpu.enqueue_dma source(%arg7 : memref<128x128xf32, #tpu.memory_space<vmem>>) target(%dma_start3A_38 : memref<128x128xf32, #tpu.memory_space<hbm>>) target_semaphore(%run_scoped3A : memref<!tpu.dma_semaphore, #tpu.memory_space<semaphore_mem>>)
        %dma_wait3A = arith.constant 0 : i32
        %dma_wait3A_39 = tpu.memref_slice %arg4[%arg0, %add3A_33, %dma_wait3A] : memref<2x10240x128xf32, #tpu.memory_space<hbm>> -> memref<1x128x128xf32, #tpu.memory_space<hbm>>
        %dma_wait3A_40 = tpu.memref_squeeze %dma_wait3A_39 : memref<1x128x128xf32, #tpu.memory_space<hbm>> -> memref<128x128xf32, #tpu.memory_space<hbm>>
        %dma_wait3A_41 = arith.constant 0 : i32
        %dma_wait3A_42 = tpu.memref_slice %arg4[%arg0, %add3A_33, %dma_wait3A_41] : memref<2x10240x128xf32, #tpu.memory_space<hbm>> -> memref<1x128x128xf32, #tpu.memory_space<hbm>>
        %dma_wait3A_43 = tpu.memref_squeeze %dma_wait3A_42 : memref<1x128x128xf32, #tpu.memory_space<hbm>> -> memref<128x128xf32, #tpu.memory_space<hbm>>
        tpu.wait_dma2 semaphore(%run_scoped3A : memref<!tpu.dma_semaphore, #tpu.memory_space<semaphore_mem>>) src(%arg7 : memref<128x128xf32, #tpu.memory_space<vmem>>) dst(%dma_wait3A_43 : memref<128x128xf32, #tpu.memory_space<hbm>>)
        tpu.yield
      }) : () -> ()
    }
    %scan3A_27 = arith.constant 5 : i32
    return
  }
}

module attributes {stable_mosaic.version = 14 : i64} {
  func.func @add_kernel(%arg0: i32, %arg1: memref<1000x128xf32, #tpu.memory_space<vmem>>, %arg2: memref<1000x128xf32, #tpu.memory_space<vmem>>, %arg3: memref<1000x128xf32, #tpu.memory_space<vmem>>) attributes {dimension_semantics = [#tpu.dimension_semantics<arbitrary>], iteration_bounds = array<i64: 10>, scalar_prefetch = 0 : i64, scratch_operands = 0 : i64, tpu.core_type = #tpu.core_type<tc>, window_params = [{transform_indices = @transform_0, window_bounds = array<i64: 1000, 128>}, {transform_indices = @transform_1, window_bounds = array<i64: 1000, 128>}, {transform_indices = @transform_2, window_bounds = array<i64: 1000, 128>}]} {
    %get3A = arith.constant 0 : index
    %get3A_0 = arith.constant 0 : index
    %get3A_1 = vector.load %arg1[%get3A, %get3A_0] : memref<1000x128xf32, #tpu.memory_space<vmem>>, vector<1000x128xf32>
    %get3A_2 = arith.constant 0 : index
    %get3A_3 = arith.constant 0 : index
    %get3A_4 = vector.load %arg2[%get3A_2, %get3A_3] : memref<1000x128xf32, #tpu.memory_space<vmem>>, vector<1000x128xf32>
    %add3A = arith.addf %get3A_1, %get3A_4 : vector<1000x128xf32>
    %swap3A = arith.constant 0 : index
    %swap3A_5 = arith.constant 0 : index
    %swap3A_6 = vector.load %arg3[%swap3A, %swap3A_5] : memref<1000x128xf32, #tpu.memory_space<vmem>>, vector<1000x128xf32>
    tpu.vector_store %arg3[%swap3A, %swap3A_5], %add3A {strides = array<i32>} : memref<1000x128xf32, #tpu.memory_space<vmem>>, vector<1000x128xf32>,
    return
  }
  func.func @transform_0(%arg0: i32) -> (i32, i32) {
    %c0_i32 = arith.constant 0 : i32
    %c0_i32_0 = arith.constant 0 : i32
    return %arg0, %c0_i32 : i32, i32
  }
  func.func @transform_1(%arg0: i32) -> (i32, i32) {
    %c0_i32 = arith.constant 0 : i32
    %c0_i32_0 = arith.constant 0 : i32
    return %arg0, %c0_i32 : i32, i32
  }
  func.func @transform_2(%arg0: i32) -> (i32, i32) {
    %c0_i32 = arith.constant 0 : i32
    %c0_i32_0 = arith.constant 0 : i32
    return %arg0, %c0_i32 : i32, i32
  }
}

</mosaic_0001>

<sc_bundles>
// kernel: kernel.4.cloned.1.call-start
scs
__scs_entry_jumppad:
0x0: {  	(pc) =	sbr.rel $0x88, $3  }
0x1: {  	(tag) =	ssettag $0x0;
	lr =	simm.s32 $0x1  }
0x2: {  	[smem:$0x3F9F] =	sst lr;
	_ =	strace $0xD0000000  }
0x3: {  	_ = 	snop  }
0x4: {  	_ = 	snop  }
0x5: {  	_ = 	snop  }
0x6: {  	_ = 	snop  }
0x7: {  	_ = 	snop  }
__scs_overlays_trampoline_lowered:
0x8: {  	[smem:$0x3FAE] =	sst s0  }
0x9: {  	[smem:$0x3FAF] =	sst s1  }
0xa: {  	[smem:$0x3FB0] =	sst s2  }
0xb: {  	[smem:$0x3FB1] =	sst s3  }
0xc: {  	[smem:$0x3FB2] =	sst s4  }
0xd: {  	[smem:$0x3FB3] =	sst s5  }
0xe: {  	[smem:$0x3FB4] =	sst s6  }
0xf: {  	[smem:$0x3FB5] =	sst s7  }
0x10: {  	[smem:$0x3FB6] =	sst s8  }
0x11: {  	[smem:$0x3FB7] =	sst s9;
	s0 =	simm.s32 @!p0 $0x0  }
0x12: {  	s1 =	sld [smem:$0x3F9D];
	s0 =	simm.s32 @p0 $0x1  }
0x13: {  	[smem:$0x3FB8] =	sst s0;
	s0 =	simm.s32 @!p1 $0x0  }
0x14: {  	s2 =	sld [smem:$0x3F9C];
	s0 =	simm.s32 @p1 $0x1  }
0x15: {  	[smem:$0x3FB9] =	sst s0;
	s0 =	simm.s32 @!p2 $0x0  }
0x16: {  	s3 =	sld [smem:$0x3FDB];
	s0 =	simm.s32 @p2 $0x1  }
0x17: {  	s4 =	simm.s32 $0x1BF5;
	[smem:$0x3FBB] =	sst s0  }
0x18: {  	s0 =	sld [smem:$0x3F9E];
	_ =	swait.ge [sflag:s4], $0x0  }
0x19: {  	s7 =	sld [smem:$0x3F9F]  }
0x1a: {  	s8 =	sadd.s32 $0xFFFFE003, lr  }
0x1b: {  	s9 =	sadd.s32 $0xFFFFFEF7, lr;
	s5 =	simm.s32 $0xFFFFFFFF;
	p2 =	slt.u32 s8, $0xFFFFF086  }
0x1c: {  	p1 =	slt.u32 s9, $0xF7A;
	s5 =	simm.s32 @!p2 $0x0  }
0x1d: {  	s5 =	simm.s32 @p1 $0x1;
	p0 =	seq.s32 s7, s2  }
0x1e: {  	s7 =	smul.u32 @!p0 $0xF7A, s2;
	p2 =	seq.s32 @!p0 s5, $0x0  }
0x1f: {  	s9 =	smul.u32 $0xF7A, s1;
	s8 =	simm.s32 @!p0 $0x1BF5;
	p2 =	por !p2, p0  }
0x20: {  	[sflag:s8] =	ssyncset.s32 @!p0 $0xFFFFF086;
	s6 =	sadd.s32 @!p0 s3, s7;
	s7 =	simm.s32 @!p0 $0x108  }
0x21: {  	s3 =	sadd.s32 s3, s9;
	s6 =	sadd.s32 @!p0 $0x88, s6;
	s7 =	simm.s32 @p2 $0x1082  }
0x22: {  	[simem:s7], [sflag:s8] =	dma.local @!p0 [hbm:s6], $0xF7A  }
0x23: {  	s9 =	sor.u32 $0xD0000000, s2;
	s6 =	simm.s32 $0x108;
	_ =	swait.ge @!p0 [sflag:s8], $0x0  }
0x24: {  	s3 =	sadd.s32 $0x88, s3;
	s6 =	simm.s32 @!p1 $0x1082;
	[sflag:s4] =	ssyncset.s32 $0xFFFFF086  }
0x25: {  	[simem:s6], [sflag:s4] =	dma.local [hbm:s3], $0xF7A  }
0x26: {  	[smem:$0x3F9F] =	sst s1;
	(tag) =	ssettag s2;
	_ =	strace s9  }
0x27: {  	s1 =	sld [smem:$0x3FAF]  }
0x28: {  	s2 =	sld [smem:$0x3FB0]  }
0x29: {  	s4 =	sld [smem:$0x3FB2]  }
0x2a: {  	p0 =	seq.s32 s5, $0x0;
	s5 =	sld [smem:$0x3FB3]  }
0x2b: {  	s6 =	sld [smem:$0x3FB4]  }
0x2c: {  	s7 =	sld [smem:$0x3FB5]  }
0x2d: {  	s3 =	simm.s32 $0x108;
	s8 =	sld [smem:$0x3FB6]  }
0x2e: {  	s3 =	simm.s32 @!p0 $0x1082;
	s9 =	sld [smem:$0x3FB7]  }
0x2f: {  	lr =	sadd.s32 s0, s3;
	s0 =	sld [smem:$0x3FAE]  }
0x30: {  	s3 =	sld [smem:$0x3FB1]  }
0x31: {  	[smem:$0x3FBA] =	sst s10  }
0x32: {  	s10 =	sld [smem:$0x3FB8];
	_ =	sdelay $0x3  }
0x33: {  	p0 =	seq.s32 s10, $0x1;
	s10 =	sld [smem:$0x3FBA];
	_ =	sdelay $0x3  }
0x34: {  	[smem:$0x3FBA] =	sst s10  }
0x35: {  	s10 =	sld [smem:$0x3FB9];
	_ =	sdelay $0x3  }
0x36: {  	p1 =	seq.s32 s10, $0x1;
	s10 =	sld [smem:$0x3FBA];
	_ =	sdelay $0x3  }
0x37: {  	[smem:$0x3FBA] =	sst s10  }
0x38: {  	s10 =	sld [smem:$0x3FBB]  }
0x39: {  	_ = 	snop;
	(pc) =	sbr.ind lr, $3  }
0x3a: {  	_ = 	snop  }
0x3b: {  	_ = 	snop  }
0x3c: {  	p2 =	seq.s32 s10, $0x1;
	s10 =	sld [smem:$0x3FBA]  }
0x3d: {  	_ =	shalt  }
0x3e: {  	_ =	shalt  }
0x3f: {  	_ =	shalt  }
0x40: {  	_ =	shalt  }
0x41: {  	_ =	shalt  }
0x42: {  	_ =	shalt  }
0x43: {  	_ =	shalt  }
0x44: {  	_ =	shalt  }
0x45: {  	_ =	shalt  }
0x46: {  	_ =	shalt  }
0x47: {  	_ =	shalt  }
0x48: {  	_ =	shalt  }
0x49: {  	_ =	shalt  }
0x4a: {  	_ =	shalt  }
0x4b: {  	_ =	shalt  }
0x4c: {  	_ =	shalt  }
0x4d: {  	_ =	shalt  }
0x4e: {  	_ =	shalt  }
0x4f: {  	_ =	shalt  }
0x50: {  	_ =	shalt  }
0x51: {  	_ =	shalt  }
0x52: {  	_ =	shalt  }
0x53: {  	_ =	shalt  }
0x54: {  	_ =	shalt  }
0x55: {  	_ =	shalt  }
0x56: {  	_ =	shalt  }
0x57: {  	_ =	shalt  }
0x58: {  	_ =	shalt  }
0x59: {  	_ =	shalt  }
0x5a: {  	_ =	shalt  }
0x5b: {  	_ =	shalt  }
0x5c: {  	_ =	shalt  }
0x5d: {  	_ =	shalt  }
0x5e: {  	_ =	shalt  }
0x5f: {  	_ =	shalt  }
0x60: {  	_ =	shalt  }
0x61: {  	_ =	shalt  }
0x62: {  	_ =	shalt  }
0x63: {  	_ =	shalt  }
0x64: {  	_ =	shalt  }
0x65: {  	_ =	shalt  }
0x66: {  	_ =	shalt  }
0x67: {  	_ =	shalt  }
0x68: {  	_ =	shalt  }
0x69: {  	_ =	shalt  }
0x6a: {  	_ =	shalt  }
0x6b: {  	_ =	shalt  }
0x6c: {  	_ =	shalt  }
0x6d: {  	_ =	shalt  }
0x6e: {  	_ =	shalt  }
0x6f: {  	_ =	shalt  }
0x70: {  	_ =	shalt  }
0x71: {  	_ =	shalt  }
0x72: {  	_ =	shalt  }
0x73: {  	_ =	shalt  }
0x74: {  	_ =	shalt  }
0x75: {  	_ =	shalt  }
0x76: {  	_ =	shalt  }
0x77: {  	_ =	shalt  }
0x78: {  	_ =	shalt  }
0x79: {  	_ =	shalt  }
0x7a: {  	_ =	shalt  }
0x7b: {  	_ =	shalt  }
0x7c: {  	_ =	shalt  }
0x7d: {  	_ =	shalt  }
0x7e: {  	_ =	shalt  }
0x7f: {  	_ =	shalt  }
0x80: {  	_ =	shalt  }
0x81: {  	_ =	shalt  }
0x82: {  	_ =	shalt  }
0x83: {  	_ =	shalt  }
0x84: {  	_ =	shalt  }
0x85: {  	_ =	shalt  }
0x86: {  	_ =	shalt  }
0x87: {  	_ =	shalt  }
.Lfunc_end0:
.L_simem_size_0:
called_computation_lowered:
.L_overlay_start_0:
0x88: {  	s2 =	sld [smem:$0x3FD9]  }
0x89: {  	s3 =	sld [smem:$0x3FFE];
	_ =	sdelay $0x1  }
0x8a: {  	s1 =	srdreg.scid  }
0x8b: {  	s0 =	sand.u32 $0x1, s1  }
0x8c: {  	s17 =	sshll.u32 s0, $0xA;
	s2 =	sadd.s32 s3, s2  }
0x8d: {  	s2 =	sadd.s32 s2, s17  }
0x8e: {  	[smem:$0x3FC6] =	sst s2  }
0x8f: {  	_ = 	snop  }
0x90: {  	s2 =	sld [smem:$0x3FC9]  }
0x91: {  	s18 =	sld [smem:$0x3FC8];
	(tm) =	ssettm $0x1  }
0x92: {  	s4 =	sld [smem:$0x3FFB];
	_ =	sdelay $0x3  }
0x93: {  	_ =	strace s4  }
0x94: {  	s4 =	sld [smem:$0x3FFC];
	_ =	sdelay $0x3  }
0x95: {  	_ =	strace s4  }
0x96: {  	s4 =	sld [smem:$0x3FFD];
	_ =	sdelay $0x3  }
0x97: {  	_ =	strace s4  }
0x98: {  	_ =	strace $0x8FFFFFFF  }
0x99: {  	s19 =	sld [smem:$0x3FDB];
	_ =	sdelay $0x1  }
0x9a: {  	s5 =	simm.s32 $_scs_section_size  }
0x9b: {  	s6 =	simm.s32 $_size__tile_overlayer_lowered;
	s7 =	simm.s32 $_tile_overlayer_lowered  }
0x9c: {  	s22 =	simm.s32 $0x1BFF;
	s21 =	sshll.u32 s7, $0x1;
	s4 =	sadd.s32 s5, s19  }
0x9d: {  	s8 =	simm.s32 $0x0;
	s20 =	sshll.u32 s6, $0x1;
	s6 =	sadd.s32 s21, s4  }
0x9e: {  	[timem:s8], [sflag:s22] =	dma.local [hbm:s6], s20  }
0x9f: {  	_ =	swait.ge [sflag:s22], s20  }
0xa0: {  	s5 =	ssub.s32 $0x0, s20;
	[sflag:s22] =	ssyncset.done $0x0  }
0xa1: {  	[sflag:s22] =	ssyncadd.s32 s5;
	_ =	sdelay $0x1  }
0xa2: {  	s23 =	simm.s32 $0x1B8B  }
0xa3: {  	_ =	swait.ge [sflag:s23], $0x1  }
0xa4: {  	[sflag:s23] =	ssyncset.done $0x0  }
0xa5: {  	s25 =	simm.s32 $0x1B8E;
	s24 =	sld [smem:$0x3FFE];
	[sflag:s23] =	ssyncadd.s32 $0xFFFFFFFF  }
0xa6: {  	s26 =	simm.s32 $execute0_lowered;
	[smem:$0x3FD2] =	sst s25  }
0xa7: {  	s6 =	sshll.u32 s26, $0x1;
	_ =	strace $0x80000046;
	[dreg:$0x1] =	wrdreg $0xFFFFFFFF  }
0xa8: {  	s28 =	simm.s32 $_size_execute0_lowered;
	s4 =	sadd.s32 s4, s6;
	[dreg:$0x0] =	wrdreg $0x0  }
0xa9: {  	s6 =	sshll.u32 s28, $0x1;
	[dreg:$0x2] =	wrdreg s4  }
0xaa: {  	[dreg:$0x3] =	wrdreg s6  }
0xab: {  	[dreg:$0x4] =	wrdreg $0xC0  }
0xac: {  	_ =	task [dreg:s8], $0x5FFFF  }
0xad: {  	[dreg:$0x1] =	wrdreg $0xFFFFFFFF  }
0xae: {  	[dreg:$0x0] =	wrdreg $0x60  }
0xaf: {  	[dreg:$0x2] =	wrdreg s2  }
0xb0: {  	[dreg:$0x3] =	wrdreg s18  }
0xb1: {  	[dreg:$0x4] =	wrdreg s24  }
0xb2: {  	[dreg:$0x5] =	wrdreg $0x68800  }
0xb3: {  	[dreg:$0x6] =	wrdreg $0x9  }
0xb4: {  	_ =	task.clear_ibuf [dreg:s8], $0x7FFFF;
	_ =	strace $0x90000046  }
0xb5: {  	s29 =	simm.s32 $0x9;
	_ =	strace $0x80000048  }
0xb6: {  	_ =	swait.ge [sflag:s29], $0x1  }
0xb7: {  	[sflag:s29] =	ssyncadd.s32 $0xFFFFFFFF  }
0xb8: {  	_ =	strace $0x90000048  }
0xb9: {  	_ =	sfence  }
0xba: {  	s30 =	sld [smem:$0x0];
	_ =	sdelay $0x2  }
0xbb: {  	s31 =	sshll.u32 s1, $0xD;
	s1 =	sshrl.u32 s1, $0x2  }
0xbc: {  	s3 =	sand.u32 $0x4000, s31;
	s1 =	sadd.s32 s1, s30  }
0xbd: {  	s0 =	sor.u32 s3, s0;
	s1 =	sshll.u32 s1, $0x11  }
0xbe: {  	s0 =	sor.u32 s1, s0  }
0xbf: {  	s0 =	sadd.s32 $0x8F2B, s0  }
0xc0: {  	[sflag:s0] =	ssyncadd.remote.s32 $0x1  }
0xc1: {  	_ =	sfence.sel $0xFFFF  }
0xc2: {  	[dreg:$0x0] =	wrdreg $0xFFFFFFFF;
	(pc) =	sbr.abs _section_cstart, $3  }
0xc3: {  	[dreg:$0x1] =	wrdreg $0xFFFFFFFF  }
0xc4: {  	_ =	task.clear_ibuf [dreg:s8], $0x2FFFF;
	_ =	strace $0x9FFFFFFF  }
0xc5: {  	(tm) =	ssettm $0x7FFFFFFF  }
tec
execute0_lowered:
.L_overlay_start_1:
0x0: {  	(tag) =	ssettag $0x1  }
0x1: {  	s18 =	rddreg [dreg:$0x0];
	s1 =	stileid.u32  }
0x2: {  	s20 =	rddreg [dreg:$0x1];
	s26 =	smul.u32 $0x50000, s1  }
0x3: {  	s4 =	rddreg [dreg:$0x2];
	s17 =	smul.u32 $0x14000, s1  }
0x4: {  	s5 =	srdreg.scid;
	s25 =	smul.u32 $0x2710, s1  }
0x5: {  	s2 =	rddreg [dreg:$0x3];
	s16 =	sand.u32 $0x1, s5;
	s30 =	smul.u32 $0x27100, s1  }
0x6: {  	s0 =	rddreg [dreg:$0x4];
	s3 =	simm.s32 $0x0;
	s21 =	smul.u32 $0x140000, s16  }
0x7: {  	[smem:$0x7FF] =	sst s3;
	s19 =	sadd.s32 $0x600, s4;
	s23 =	smul.u32 $0x271000, s16  }
0x8: {  	_ =	strace $0x80000047;
	s28 =	ssub.s32 $0x2, s16;
	s24 =	smul.u32 $0x27100, s16  }
0x9: {  	s6 =	sshrl.u32 s28, $0x1;
	s5 =	sshrl.u32 s26, $0x2;
	s11 =	sadd.s32 $0x4000, s17  }
0xa: {  	s13 =	sadd.s32 $0x8000, s17;
	s15 =	sadd.s32 $0xC000, s17;
	s29 =	sadd.s32 $0x10000, s17  }
0xb: {  	s6 =	ssub.s32 s28, s6;
	s4 =	sadd.s32 s5, s2;
	s10 =	sadd.s32 s21, s17  }
0xc: {  	s12 =	sadd.s32 s21, s11;
	s11 =	sadd.s32 s11, s2;
	s14 =	sadd.s32 s21, s13  }
0xd: {  	s13 =	sadd.s32 s13, s2;
	s22 =	sadd.s32 s21, s15;
	s15 =	sadd.s32 s15, s2  }
0xe: {  	s17 =	sadd.s32 s29, s2;
	s21 =	sadd.s32 s21, s29;
	s23 =	sadd.s32 s23, s18  }
0xf: {  	s24 =	sadd.s32 s25, s24;
	s25 =	simm.s32 $0x0;
	s5 =	smax.u32 s6, $0x1  }
0x10: {  	s6 =	sadd.s32 $0x4000, s4;
	s7 =	sadd.s32 $0x8000, s4;
	s8 =	sadd.s32 $0xC000, s4  }
0x11: {  	s9 =	sadd.s32 $0x10000, s4;
	s10 =	sshrl.u32 s10, $0x3;
	s12 =	sshrl.u32 s12, $0x3  }
0x12: {  	s14 =	sshrl.u32 s14, $0x3;
	s22 =	sshrl.u32 s22, $0x3;
	s21 =	sshrl.u32 s21, $0x3  }
0x13: {  	s31 =	sshrl.u32 s24, $0x3;
	s24 =	simm.s32 $0x50;
	s10 =	sadd.s32 s19, s10  }
0x14: {  	s12 =	sadd.s32 s19, s12;
	s14 =	sadd.s32 s19, s14;
	s16 =	sadd.s32 s19, s22  }
0x15: {  	s18 =	sadd.s32 s19, s21;
	s19 =	sadd.s32 s30, s23;
	s20 =	sadd.s32 s31, s20  }
0x16: {  	v0 =	vimm.f32 $0.0e+00;
	s21 =	simm.s32 $0x2880;
	s22 =	simm.s32 $0x1;
	s23 =	simm.s32 $0x2800  }
.LBB2_1:
0x17: {  	s26 =	simm.s32 $0x0;
	s28 =	simm.s32 $0x200  }
.LBB2_2:
0x18: {  	p0 =	sne.s32 s28, $0xFE00;
	[tilespmem:s26+$0x28F0] =	vst v0  }
0x19: {  	[tilespmem:s26+$0x2880] =	vst v0  }
0x1a: {  	[tilespmem:s26+$0x2890] =	vst v0  }
.Ltmp0:
0x1b: {  	[tilespmem:s26+$0x28A0] =	vst v0;
	(pc) =	sbr.rel @p0 .LBB2_2-.Ltmp0, $4  }
0x1c: {  	[tilespmem:s26+$0x28B0] =	vst v0  }
0x1d: {  	[tilespmem:s26+$0x28C0] =	vst v0  }
0x1e: {  	[tilespmem:s26+$0x28D0] =	vst v0  }
0x1f: {  	[tilespmem:s26+$0x28E0] =	vst v0;
	s26 =	sshra.s32 s28, $0x2;
	s28 =	sadd.s32 $0x200, s28  }
0x20: {  	[tilespmem:s26+$0x28F0] =	vst v0  }
0x21: {  	[tilespmem:s26+$0x2880] =	vst v0  }
0x22: {  	[tilespmem:s26+$0x2890] =	vst v0  }
0x23: {  	[tilespmem:s26+$0x28A0] =	vst v0  }
0x24: {  	[tilespmem:s26+$0x28B0] =	vst v0  }
0x25: {  	[tilespmem:s26+$0x28C0] =	vst v0  }
0x26: {  	[tilespmem:s26+$0x28D0] =	vst v0  }
0x27: {  	[tilespmem:s26+$0x28E0] =	vst v0  }
0x28: {  	[spmem:s4] =	stream.linear.scatter [tilespmem:s21], [sflag:$0x1], $0x4000, $0x38;
	[tilespmem:$0x1A880] =	vst v63  }
0x29: {  	_ =	swait.ge [sflag:s22], $0x4000  }
0x2a: {  	[sflag:s22] =	ssyncset.done $0x0  }
0x2b: {  	[sflag:s22] =	ssyncadd.s32 $0xFFFFC000  }
0x2c: {  	[spmem:s6] =	stream.linear.scatter [tilespmem:s21], [sflag:$0x1], $0x4000, $0x38;
	[tilespmem:$0x1A880] =	vst v63  }
0x2d: {  	_ =	swait.ge [sflag:s22], $0x4000  }
0x2e: {  	[sflag:s22] =	ssyncset.done $0x0  }
0x2f: {  	[sflag:s22] =	ssyncadd.s32 $0xFFFFC000  }
0x30: {  	[spmem:s7] =	stream.linear.scatter [tilespmem:s21], [sflag:$0x1], $0x4000, $0x38;
	[tilespmem:$0x1A880] =	vst v63  }
0x31: {  	_ =	swait.ge [sflag:s22], $0x4000  }
0x32: {  	[sflag:s22] =	ssyncset.done $0x0  }
0x33: {  	[sflag:s22] =	ssyncadd.s32 $0xFFFFC000  }
0x34: {  	[spmem:s8] =	stream.linear.scatter [tilespmem:s21], [sflag:$0x1], $0x4000, $0x38;
	[tilespmem:$0x1A880] =	vst v63  }
0x35: {  	_ =	swait.ge [sflag:s22], $0x4000  }
0x36: {  	[sflag:s22] =	ssyncset.done $0x0  }
0x37: {  	[sflag:s22] =	ssyncadd.s32 $0xFFFFC000  }
0x38: {  	[spmem:s9] =	stream.linear.scatter [tilespmem:s21], [sflag:$0x1], $0x4000, $0x38;
	[tilespmem:$0x1A880] =	vst v63  }
0x39: {  	_ =	swait.ge [sflag:s22], $0x4000  }
0x3a: {  	[sflag:s22] =	ssyncset.done $0x0  }
0x3b: {  	[sflag:s22] =	ssyncadd.s32 $0xFFFFC000  }
0x3c: {  	s31 =	sadd.s32 $0x0, s20;
	[bflag:$0x0] =	sbarrier.arrive $0xFFFF  }
0x3d: {  	[tilespmem:s23], [sflag:$0x1] =	stream.linear.gather [hbm4b:s31+s3], $0x50, $0x38;
	[tilespmem:$0x1A880] =	vst v63  }
0x3e: {  	_ =	swait.ge [sflag:s22], $0x50  }
0x3f: {  	[sflag:s22] =	ssyncset.done $0x0  }
0x40: {  	[sflag:s22] =	ssyncadd.s32 $0xFFFFFFB0  }
0x41: {  	[tilespmem:s3], [sflag:$0x1] =	stream.linear.gather [hbm4b:s19+s3], $0x2800, $0x38;
	[tilespmem:$0x1A880] =	vst v63  }
0x42: {  	_ =	swait.ge [sflag:s22], $0x2800  }
0x43: {  	[sflag:s22] =	ssyncset.done $0x0  }
0x44: {  	[sflag:s22] =	ssyncadd.s32 $0xFFFFD800  }
0x45: {  	[spmem:s2] =	stream.indirect.scatter.add.f32 [tilespmem:s3], [sflag:$0x1], $0x80, s23, s24, $0xb8;
	[tilespmem:$0x1A880] =	vst v63  }
0x46: {  	s28 =	simm.s32 $0xA;
	_ =	swait.ge [sflag:s22], $0x2800  }
0x47: {  	s29 =	simm.s32 $0x14;
	s26 =	sadd.s32 $0x500, s19;
	[sflag:s22] =	ssyncset.done $0x0  }
.LBB2_4:
0x48: {  	s30 =	sadd.s32 s28, s20  }
0x49: {  	[sflag:s22] =	ssyncadd.s32 $0xFFFFD800;
	s28 =	smov.u32 s29;
	s31 =	sadd.s32 $0xA, s29  }
0x4a: {  	[tilespmem:s23], [sflag:$0x1] =	stream.linear.gather [hbm4b:s30+s3], $0x50, $0x38;
	[tilespmem:$0x1A880] =	vst v63  }
0x4b: {  	p0 =	sne.s32 s29, $0x4D8;
	_ =	swait.ge [sflag:s22], $0x50  }
0x4c: {  	[sflag:s22] =	ssyncset.done $0x0  }
0x4d: {  	[sflag:s22] =	ssyncadd.s32 $0xFFFFFFB0  }
0x4e: {  	[tilespmem:s3], [sflag:$0x1] =	stream.linear.gather [hbm4b:s26+s3], $0x2800, $0x38;
	[tilespmem:$0x1A880] =	vst v63  }
0x4f: {  	_ =	swait.ge [sflag:s22], $0x2800  }
.Ltmp1:
0x50: {  	[sflag:s22] =	ssyncset.done $0x0;
	(pc) =	sbr.rel @p0 .LBB2_4-.Ltmp1, $4  }
0x51: {  	[sflag:s22] =	ssyncadd.s32 $0xFFFFD800  }
0x52: {  	[spmem:s2] =	stream.indirect.scatter.add.f32 [tilespmem:s3], [sflag:$0x1], $0x80, s23, s24, $0xb8;
	[tilespmem:$0x1A880] =	vst v63  }
0x53: {  	_ =	swait.ge [sflag:s22], $0x2800  }
0x54: {  	s29 =	smov.u32 s31;
	s26 =	sadd.s32 $0x500, s26;
	[sflag:s22] =	ssyncset.done $0x0  }
0x55: {  	s28 =	sadd.s32 s28, s20;
	[sflag:s22] =	ssyncadd.s32 $0xFFFFD800  }
0x56: {  	[tilespmem:s23], [sflag:$0x1] =	stream.linear.gather [hbm4b:s28+s3], $0x50, $0x38;
	[tilespmem:$0x1A880] =	vst v63  }
0x57: {  	_ =	swait.ge [sflag:s22], $0x50  }
0x58: {  	[sflag:s22] =	ssyncset.done $0x0  }
0x59: {  	[sflag:s22] =	ssyncadd.s32 $0xFFFFFFB0  }
0x5a: {  	[tilespmem:s3], [sflag:$0x1] =	stream.linear.gather [hbm4b:s26+s3], $0x2800, $0x38;
	[tilespmem:$0x1A880] =	vst v63  }
0x5b: {  	_ =	swait.ge [sflag:s22], $0x2800  }
0x5c: {  	[sflag:s22] =	ssyncset.done $0x0  }
0x5d: {  	[sflag:s22] =	ssyncadd.s32 $0xFFFFD800  }
0x5e: {  	[spmem:s2] =	stream.indirect.scatter.add.f32 [tilespmem:s3], [sflag:$0x1], $0x80, s23, s24, $0xb8;
	[tilespmem:$0x1A880] =	vst v63  }
0x5f: {  	_ =	swait.ge [sflag:s22], $0x2800  }
0x60: {  	[sflag:s22] =	ssyncset.done $0x0  }
0x61: {  	[sflag:s22] =	ssyncadd.s32 $0xFFFFD800  }
0x62: {  	[bflag:$0x0] =	sbarrier.arrive $0xFFFF  }
0x63: {  	[tilespmem:s21], [sflag:$0x1] =	stream.linear.gather [spmem:s4], $0x4000, $0x38;
	[tilespmem:$0x1A880] =	vst v63  }
0x64: {  	_ =	swait.ge [sflag:s22], $0x4000  }
0x65: {  	[sflag:s22] =	ssyncset.done $0x0  }
0x66: {  	[sflag:s22] =	ssyncadd.s32 $0xFFFFC000  }
0x67: {  	[hbm4b:s10+s3] =	stream.linear.scatter [tilespmem:s21], [sflag:$0x1], $0x4000, $0x38;
	[tilespmem:$0x1A880] =	vst v63  }
0x68: {  	_ =	swait.ge [sflag:s22], $0x4000  }
0x69: {  	[sflag:s22] =	ssyncset.done $0x0  }
0x6a: {  	[sflag:s22] =	ssyncadd.s32 $0xFFFFC000  }
0x6b: {  	[tilespmem:s21], [sflag:$0x1] =	stream.linear.gather [spmem:s11], $0x4000, $0x38;
	[tilespmem:$0x1A880] =	vst v63  }
0x6c: {  	_ =	swait.ge [sflag:s22], $0x4000  }
0x6d: {  	[sflag:s22] =	ssyncset.done $0x0  }
0x6e: {  	[sflag:s22] =	ssyncadd.s32 $0xFFFFC000  }
0x6f: {  	[hbm4b:s12+s3] =	stream.linear.scatter [tilespmem:s21], [sflag:$0x1], $0x4000, $0x38;
	[tilespmem:$0x1A880] =	vst v63  }
0x70: {  	_ =	swait.ge [sflag:s22], $0x4000  }
0x71: {  	[sflag:s22] =	ssyncset.done $0x0  }
0x72: {  	[sflag:s22] =	ssyncadd.s32 $0xFFFFC000  }
0x73: {  	[tilespmem:s21], [sflag:$0x1] =	stream.linear.gather [spmem:s13], $0x4000, $0x38;
	[tilespmem:$0x1A880] =	vst v63  }
0x74: {  	_ =	swait.ge [sflag:s22], $0x4000  }
0x75: {  	[sflag:s22] =	ssyncset.done $0x0  }
0x76: {  	[sflag:s22] =	ssyncadd.s32 $0xFFFFC000  }
0x77: {  	[hbm4b:s14+s3] =	stream.linear.scatter [tilespmem:s21], [sflag:$0x1], $0x4000, $0x38;
	[tilespmem:$0x1A880] =	vst v63  }
0x78: {  	_ =	swait.ge [sflag:s22], $0x4000  }
0x79: {  	[sflag:s22] =	ssyncset.done $0x0  }
0x7a: {  	[sflag:s22] =	ssyncadd.s32 $0xFFFFC000  }
0x7b: {  	[tilespmem:s21], [sflag:$0x1] =	stream.linear.gather [spmem:s15], $0x4000, $0x38;
	[tilespmem:$0x1A880] =	vst v63  }
0x7c: {  	_ =	swait.ge [sflag:s22], $0x4000  }
0x7d: {  	[sflag:s22] =	ssyncset.done $0x0  }
0x7e: {  	[sflag:s22] =	ssyncadd.s32 $0xFFFFC000  }
0x7f: {  	[hbm4b:s16+s3] =	stream.linear.scatter [tilespmem:s21], [sflag:$0x1], $0x4000, $0x38;
	[tilespmem:$0x1A880] =	vst v63  }
0x80: {  	_ =	swait.ge [sflag:s22], $0x4000  }
0x81: {  	[sflag:s22] =	ssyncset.done $0x0  }
0x82: {  	[sflag:s22] =	ssyncadd.s32 $0xFFFFC000  }
0x83: {  	[tilespmem:s21], [sflag:$0x1] =	stream.linear.gather [spmem:s17], $0x4000, $0x38;
	[tilespmem:$0x1A880] =	vst v63  }
0x84: {  	s25 =	sadd.s32 $0x1, s25;
	_ =	swait.ge [sflag:s22], $0x4000  }
0x85: {  	p0 =	sne.s32 s25, s5;
	[sflag:s22] =	ssyncset.done $0x0  }
.Ltmp2:
0x86: {  	[sflag:s22] =	ssyncadd.s32 $0xFFFFC000;
	(pc) =	sbr.rel @p0 .LBB2_1-.Ltmp2, $4  }
0x87: {  	[hbm4b:s18+s3] =	stream.linear.scatter [tilespmem:s21], [sflag:$0x1], $0x4000, $0x38;
	[tilespmem:$0x1A880] =	vst v63  }
0x88: {  	_ =	swait.ge [sflag:s22], $0x4000  }
0x89: {  	[sflag:s22] =	ssyncset.done $0x0  }
0x8a: {  	[sflag:s22] =	ssyncadd.s32 $0xFFFFC000  }
0x8b: {  	_ =	sfence.sel $0x180000  }
0x8c: {  	[bflag:$0x0] =	sbarrier.arrive $0xFFFF  }
0x8d: {  	p0 =	sne.s32 s1, $0x0;
	_ =	strace $0x90000047  }
0x8e: {  	s0 =	sadd.s32 @!p0 $0x100000, s0;
	[bflag:$0x2] =	sbarrier.arrive $0xFFFF  }
0x8f: {  	[sflag:s0] =	ssyncadd.tile.s32 @!p0 $0x1;
	_ =	shalt  }
.Lfunc_end2:
_tile_overlayer_lowered:
.L_overlay_start_2:
0x90: {  	(tag) =	ssettag $0x2  }
0x91: {  	s0 =	rddreg [dreg:$0x0];
	s2 =	stileid.u32  }
0x92: {  	s1 =	rddreg [dreg:$0x1];
	p0 =	sne.s32 s2, $0x0  }
0x93: {  	s3 =	rddreg [dreg:$0x2];
	[bflag:$0x3] =	sbarrier.arrive $0xFFFF;
	s2 =	simm.s32 @!p0 $0x1C01  }
0x94: {  	[timem:s3], [sflag:s2] =	dma.local @!p0 [hbm:s0], s1  }
0x95: {  	s0 =	simm.s32 @!p0 $0x1  }
0x96: {  	_ =	swait.ge @!p0 [sflag:s0], s1  }
0x97: {  	s1 =	ssub.s32 @!p0 $0x0, s1;
	[sflag:s0] =	ssyncset.done @!p0 $0x0  }
0x98: {  	[sflag:s0] =	ssyncadd.s32 @!p0 s1  }
0x99: {  	[bflag:$0x3] =	sbarrier.arrive $0xFFFF  }
0x9a: {  	_ =	shalt  }

</sc_bundles>
